<compile_context>
chip_gen: v7x
topology: tpu7x:2x2x1
jax: 0.10.2.dev20260603
libtpu: 0.0.44.dev20260713+nightly
codegen_flags: <defaults>
</compile_context>

<pallas_src>
import functools

import jax
import jax.numpy as jnp
import numpy as np
from jax.experimental import pallas as pl
from jax.experimental.pallas import tpu as pltpu

BN = 1024
BM = 1024
LOG2E = float(np.log2(np.e))


def _flash_kernel(n_real, n_col_blocks,
                  x_ref, a_ref, d_ref, w_ref, as_ref, an_ref, b_ref,
                  out_ref, acc_ref, l_ref, s_ref, t_ref, wt_ref):
    i = pl.program_id(0)
    j = pl.program_id(1)

    @pl.when(jnp.logical_and(i == 0, j == 0))
    def _init_globals():
        ws = jnp.dot(w_ref[...], as_ref[...],
                     preferred_element_type=jnp.float32) * LOG2E
        wt_ref[...] = jnp.dot(w_ref[...], an_ref[...],
                              preferred_element_type=jnp.float32) * LOG2E
        s_ref[...] = jnp.dot(x_ref[...], ws,
                             preferred_element_type=jnp.float32)
        t_col = jnp.dot(x_ref[...], wt_ref[...],
                        preferred_element_type=jnp.float32)
        t_ref[...] = t_col.reshape(1, -1)

    @pl.when(j == 0)
    def _init_row_block():
        l_ref[...] = jnp.zeros_like(l_ref)
        acc_ref[...] = jnp.zeros_like(acc_ref)

    tail = n_real % BM
    if tail:
        @pl.when(j == n_col_blocks - 1)
        def _zero_tail():
            a_ref[:, tail:] = jnp.zeros((BN, BM - tail), jnp.float32)

    s_blk = s_ref[pl.ds(i * BN, BN), :]
    t_blk = t_ref[:, pl.ds(j * BM, BM)]
    z = s_blk + t_blk
    logit = jnp.maximum(z, 0.2 * z)
    p = jnp.exp2(logit) * a_ref[...]
    l_ref[...] += jnp.sum(p, axis=1, keepdims=True)
    x_col = x_ref[pl.ds(j * BM, BM), :]
    acc_ref[...] += jnp.dot(p, x_col, preferred_element_type=jnp.float32)

    @pl.when(j == n_col_blocks - 1)
    def _finalize():
        x_row = x_ref[pl.ds(i * BN, BN), :]
        t_self = jnp.dot(x_row, wt_ref[...],
                         preferred_element_type=jnp.float32)
        zs = s_blk + t_self
        w_self = (1.0 - d_ref[...]) * jnp.exp2(jnp.maximum(zs, 0.2 * zs))
        l = l_ref[...] + w_self
        acc = acc_ref[...] + w_self * x_row
        out_ref[...] = jnp.dot(acc / l, w_ref[...],
                               preferred_element_type=jnp.float32) + b_ref[...]


@jax.jit
def kernel(x, a, kernel, attn_kernel_self, attn_kernel_neighs, bias):
    n, i_dim = x.shape
    o_dim = kernel.shape[2]
    w = kernel.reshape(i_dim, o_dim)
    a_s = attn_kernel_self.reshape(o_dim, 1)
    a_n = attn_kernel_neighs.reshape(o_dim, 1)
    b = bias.reshape(1, o_dim)

    n_row_blocks = pl.cdiv(n, BN)
    n_col_blocks = pl.cdiv(n, BM)
    n_pad = max(n_row_blocks * BN, n_col_blocks * BM)
    x_p = jnp.pad(x, ((0, n_pad - n), (0, 0)))
    d_p = jnp.pad(jnp.diagonal(a), (0, n_pad - n),
                  constant_values=1.0).reshape(n_pad, 1)

    grid = (n_row_blocks, n_col_blocks)
    out = pl.pallas_call(
        functools.partial(_flash_kernel, n, n_col_blocks),
        grid=grid,
        in_specs=[
            pl.BlockSpec((n_pad, i_dim), lambda i, j: (0, 0)),
            pl.BlockSpec((BN, BM), lambda i, j: (i, j)),
            pl.BlockSpec((BN, 1), lambda i, j: (i, 0)),
            pl.BlockSpec((i_dim, o_dim), lambda i, j: (0, 0)),
            pl.BlockSpec((o_dim, 1), lambda i, j: (0, 0)),
            pl.BlockSpec((o_dim, 1), lambda i, j: (0, 0)),
            pl.BlockSpec((1, o_dim), lambda i, j: (0, 0)),
        ],
        out_specs=pl.BlockSpec((BN, o_dim), lambda i, j: (i, 0)),
        out_shape=jax.ShapeDtypeStruct((n, o_dim), jnp.float32),
        scratch_shapes=[
            pltpu.VMEM((BN, o_dim), jnp.float32),
            pltpu.VMEM((BN, 1), jnp.float32),
            pltpu.VMEM((n_pad, 1), jnp.float32),
            pltpu.VMEM((1, n_pad), jnp.float32),
            pltpu.VMEM((i_dim, 1), jnp.float32),
        ],
        compiler_params=pltpu.CompilerParams(
            dimension_semantics=("arbitrary", "arbitrary")),
    )(x_p, a, d_p, w, a_s, a_n, b)
    return out

# --- scband reference (transcript-rebuilt; emitter-appended) ---
"""Pipeline reference for scband-gatconv-54279796687119 (READ-ONLY COPY).

The authoritative reference and input builder live on the scoring server;
editing this copy changes nothing except your own understanding.
"""

import jax, jax.numpy as jnp
import numpy as np

N = 10000
I = 128
H = 1
O = 128

def setup_inputs(seed: int = 0) -> dict:
    key = jax.random.key(seed)
    k1, k2, k3, k4, k5 = jax.random.split(key, 5)
    x = jax.random.normal(k1, (N, I), dtype=jnp.float32)
    a = jax.random.randint(k2, (N, N), 0, 2).astype(jnp.float32)
    kernel = jax.random.normal(k3, (I, H, O), dtype=jnp.float32) * (1.0 / np.sqrt(I))
    attn_kernel_self = jax.random.normal(k4, (O, H, 1), dtype=jnp.float32) * (1.0 / np.sqrt(O))
    attn_kernel_neighs = jax.random.normal(k5, (O, H, 1), dtype=jnp.float32) * (1.0 / np.sqrt(O))
    bias = jnp.zeros((H * O,), dtype=jnp.float32)
    return {"x": x, "a": a, "kernel": kernel, "attn_kernel_self": attn_kernel_self, "attn_kernel_neighs": attn_kernel_neighs, "bias": bias}

def reference(x, a, kernel, attn_kernel_self, attn_kernel_neighs, bias):
    # dense-mode GATConv (spektral), add_self_loops=True -> set diagonal to 1
    diag = jnp.arange(N)
    a = a.at[diag, diag].set(1.0)
    # x: [N, I] -> [N, H, O]
    xt = jnp.einsum("ni,iho->nho", x, kernel)
    # attention logits
    attn_self = jnp.einsum("nhi,iho->nho", xt, attn_kernel_self)      # [N, H, 1]
    attn_neighs = jnp.einsum("nhi,iho->nho", xt, attn_kernel_neighs)  # [N, H, 1]
    attn_neighs = jnp.transpose(attn_neighs, (2, 1, 0))               # [1, H, N]
    attn_coef = attn_self + attn_neighs                               # [N, H, N]
    attn_coef = jax.nn.leaky_relu(attn_coef, negative_slope=0.2)
    mask = jnp.where(a == 0.0, -10e9, 0.0).astype(attn_coef.dtype)    # [N, N]
    attn_coef = attn_coef + mask[:, None, :]
    attn_coef = jax.nn.softmax(attn_coef, axis=-1)
    # dropout is identity at inference (training=False)
    out = jnp.einsum("nhm,mhi->nhi", attn_coef, xt)                   # [N, H, O]
    # concat_heads=True
    out = out.reshape(N, H * O)
    out = out + bias
    # activation=None -> linear; return_attn_coef=False -> output only
    return out

if __name__ == "__main__":
    import jax
    _d = setup_inputs()
    print(jax.jit(kernel)(*tuple(_d.values())))

</pallas_src>

<mosaic_0001>
module attributes {stable_mosaic.version = 14 : i64} {
  func.func @_flash_kernel(%arg0: i32, %arg1: i32, %arg2: memref<10240x128xf32, #tpu.memory_space<vmem>>, %arg3: memref<1024x1024xf32, #tpu.memory_space<vmem>>, %arg4: memref<1024x1xf32, #tpu.memory_space<vmem>>, %arg5: memref<128x128xf32, #tpu.memory_space<vmem>>, %arg6: memref<128x1xf32, #tpu.memory_space<vmem>>, %arg7: memref<128x1xf32, #tpu.memory_space<vmem>>, %arg8: memref<1x128xf32, #tpu.memory_space<vmem>>, %arg9: memref<1024x128xf32, #tpu.memory_space<vmem>>, %arg10: memref<1024x128xf32, #tpu.memory_space<vmem>>, %arg11: memref<1024x1xf32, #tpu.memory_space<vmem>>, %arg12: memref<10240x1xf32, #tpu.memory_space<vmem>>, %arg13: memref<1x10240xf32, #tpu.memory_space<vmem>>, %arg14: memref<128x1xf32, #tpu.memory_space<vmem>>) attributes {dimension_semantics = [#tpu.dimension_semantics<arbitrary>, #tpu.dimension_semantics<arbitrary>], iteration_bounds = array<i64: 10, 10>, scalar_prefetch = 0 : i64, scratch_operands = 5 : i64, tpu.core_type = #tpu.core_type<tc>, window_params = [{pipeline_mode = #tpu.pipeline_mode<synchronous>, transform_indices = @transform_0, window_bounds = array<i64: 10240, 128>}, {transform_indices = @transform_1, window_bounds = array<i64: 1024, 1024>}, {transform_indices = @transform_2, window_bounds = array<i64: 1024, 1>}, {pipeline_mode = #tpu.pipeline_mode<synchronous>, transform_indices = @transform_3, window_bounds = array<i64: 128, 128>}, {pipeline_mode = #tpu.pipeline_mode<synchronous>, transform_indices = @transform_4, window_bounds = array<i64: 128, 1>}, {pipeline_mode = #tpu.pipeline_mode<synchronous>, transform_indices = @transform_5, window_bounds = array<i64: 128, 1>}, {pipeline_mode = #tpu.pipeline_mode<synchronous>, transform_indices = @transform_6, window_bounds = array<i64: 1, 128>}, {transform_indices = @transform_7, window_bounds = array<i64: 1024, 128>}]} {
    %eq3A = arith.constant 0 : i32
    %eq3A_0 = arith.cmpi eq, %arg0, %eq3A : i32
    %eq3A_1 = arith.constant 0 : i32
    %eq3A_2 = arith.cmpi eq, %arg1, %eq3A_1 : i32
    %and3A = arith.andi %eq3A_0, %eq3A_2 : i1
    %convert_element_type3A = arith.extui %and3A : i1 to i32
    %cond3A = arith.constant 0 : i32
    %cond3A_3 = arith.cmpi ne, %convert_element_type3A, %cond3A : i32
    scf.if %cond3A_3 {
      %get3A_56 = arith.constant 0 : index
      %get3A_57 = arith.constant 0 : index
      %get3A_58 = vector.load %arg5[%get3A_56, %get3A_57] : memref<128x128xf32, #tpu.memory_space<vmem>>, vector<128x128xf32>
      %get3A_59 = arith.constant 0 : index
      %get3A_60 = arith.constant 0 : index
      %get3A_61 = vector.load %arg6[%get3A_59, %get3A_60] : memref<128x1xf32, #tpu.memory_space<vmem>>, vector<128x1xf32>
      %dot_general3A_62 = arith.constant dense<0.000000e+00> : vector<128x1xf32>
      %dot_general3A_63 = tpu.matmul %get3A_58, %get3A_61, %dot_general3A_62 {dimension_numbers = #tpu.dot_dimension_numbers<[1], [0], [0], [1], [0, 0, 1, 1], [], []>, transpose_lhs_hint = false} : vector<128x128xf32>, vector<128x1xf32>, vector<128x1xf32> -> vector<128x1xf32>
      %mul3A_64 = arith.constant 1.44269502 : f32
      %mul3A_65 = vector.broadcast %mul3A_64 : f32 to vector<128x1xf32>
      %mul3A_66 = arith.mulf %dot_general3A_63, %mul3A_65 : vector<128x1xf32>
      %get3A_67 = arith.constant 0 : index
      %get3A_68 = arith.constant 0 : index
      %get3A_69 = vector.load %arg5[%get3A_67, %get3A_68] : memref<128x128xf32, #tpu.memory_space<vmem>>, vector<128x128xf32>
      %get3A_70 = arith.constant 0 : index
      %get3A_71 = arith.constant 0 : index
      %get3A_72 = vector.load %arg7[%get3A_70, %get3A_71] : memref<128x1xf32, #tpu.memory_space<vmem>>, vector<128x1xf32>
      %dot_general3A_73 = arith.constant dense<0.000000e+00> : vector<128x1xf32>
      %dot_general3A_74 = tpu.matmul %get3A_69, %get3A_72, %dot_general3A_73 {dimension_numbers = #tpu.dot_dimension_numbers<[1], [0], [0], [1], [0, 0, 1, 1], [], []>, transpose_lhs_hint = false} : vector<128x128xf32>, vector<128x1xf32>, vector<128x1xf32> -> vector<128x1xf32>
      %mul3A_75 = arith.constant 1.44269502 : f32
      %mul3A_76 = vector.broadcast %mul3A_75 : f32 to vector<128x1xf32>
      %mul3A_77 = arith.mulf %dot_general3A_74, %mul3A_76 : vector<128x1xf32>
      %swap3A_78 = arith.constant 0 : index
      %swap3A_79 = arith.constant 0 : index
      %swap3A_80 = vector.load %arg14[%swap3A_78, %swap3A_79] : memref<128x1xf32, #tpu.memory_space<vmem>>, vector<128x1xf32>
      tpu.vector_store %arg14[%swap3A_78, %swap3A_79], %mul3A_77 {strides = array<i32>} : memref<128x1xf32, #tpu.memory_space<vmem>>, vector<128x1xf32>,
      %get3A_81 = arith.constant 0 : index
      %get3A_82 = arith.constant 0 : index
      %get3A_83 = vector.load %arg2[%get3A_81, %get3A_82] : memref<10240x128xf32, #tpu.memory_space<vmem>>, vector<10240x128xf32>
      %dot_general3A_84 = arith.constant dense<0.000000e+00> : vector<10240x1xf32>
      %dot_general3A_85 = tpu.matmul %get3A_83, %mul3A_66, %dot_general3A_84 {dimension_numbers = #tpu.dot_dimension_numbers<[1], [0], [0], [1], [0, 0, 1, 1], [], []>, transpose_lhs_hint = false} : vector<10240x128xf32>, vector<128x1xf32>, vector<10240x1xf32> -> vector<10240x1xf32>
      %swap3A_86 = arith.constant 0 : index
      %swap3A_87 = arith.constant 0 : index
      %swap3A_88 = vector.load %arg12[%swap3A_86, %swap3A_87] : memref<10240x1xf32, #tpu.memory_space<vmem>>, vector<10240x1xf32>
      tpu.vector_store %arg12[%swap3A_86, %swap3A_87], %dot_general3A_85 {strides = array<i32>} : memref<10240x1xf32, #tpu.memory_space<vmem>>, vector<10240x1xf32>,
      %get3A_89 = arith.constant 0 : index
      %get3A_90 = arith.constant 0 : index
      %get3A_91 = vector.load %arg2[%get3A_89, %get3A_90] : memref<10240x128xf32, #tpu.memory_space<vmem>>, vector<10240x128xf32>
      %get3A_92 = arith.constant 0 : index
      %get3A_93 = arith.constant 0 : index
      %get3A_94 = vector.load %arg14[%get3A_92, %get3A_93] : memref<128x1xf32, #tpu.memory_space<vmem>>, vector<128x1xf32>
      %dot_general3A_95 = arith.constant dense<0.000000e+00> : vector<10240x1xf32>
      %dot_general3A_96 = tpu.matmul %get3A_91, %get3A_94, %dot_general3A_95 {dimension_numbers = #tpu.dot_dimension_numbers<[1], [0], [0], [1], [0, 0, 1, 1], [], []>, transpose_lhs_hint = false} : vector<10240x128xf32>, vector<128x1xf32>, vector<10240x1xf32> -> vector<10240x1xf32>
      %reshape3A = vector.shape_cast %dot_general3A_96 : vector<10240x1xf32> to vector<1x10240xf32>
      %swap3A_97 = arith.constant 0 : index
      %swap3A_98 = arith.constant 0 : index
      %swap3A_99 = vector.load %arg13[%swap3A_97, %swap3A_98] : memref<1x10240xf32, #tpu.memory_space<vmem>>, vector<1x10240xf32>
      tpu.vector_store %arg13[%swap3A_97, %swap3A_98], %reshape3A {strides = array<i32>} : memref<1x10240xf32, #tpu.memory_space<vmem>>, vector<1x10240xf32>,
    } else {
    }
    %eq3A_4 = arith.constant 0 : i32
    %eq3A_5 = arith.cmpi eq, %arg1, %eq3A_4 : i32
    %convert_element_type3A_6 = arith.extui %eq3A_5 : i1 to i32
    %cond3A_7 = arith.constant 0 : i32
    %cond3A_8 = arith.cmpi ne, %convert_element_type3A_6, %cond3A_7 : i32
    scf.if %cond3A_8 {
      %broadcast_in_dim3A_56 = arith.constant 0.000000e+00 : f32
      %broadcast_in_dim3A_57 = vector.broadcast %broadcast_in_dim3A_56 : f32 to vector<1024x1xf32>
      %swap3A_58 = arith.constant 0 : index
      %swap3A_59 = arith.constant 0 : index
      %swap3A_60 = vector.load %arg11[%swap3A_58, %swap3A_59] : memref<1024x1xf32, #tpu.memory_space<vmem>>, vector<1024x1xf32>
      tpu.vector_store %arg11[%swap3A_58, %swap3A_59], %broadcast_in_dim3A_57 {strides = array<i32>} : memref<1024x1xf32, #tpu.memory_space<vmem>>, vector<1024x1xf32>,
      %broadcast_in_dim3A_61 = arith.constant 0.000000e+00 : f32
      %broadcast_in_dim3A_62 = vector.broadcast %broadcast_in_dim3A_61 : f32 to vector<1024x128xf32>
      %swap3A_63 = arith.constant 0 : index
      %swap3A_64 = arith.constant 0 : index
      %swap3A_65 = vector.load %arg10[%swap3A_63, %swap3A_64] : memref<1024x128xf32, #tpu.memory_space<vmem>>, vector<1024x128xf32>
      tpu.vector_store %arg10[%swap3A_63, %swap3A_64], %broadcast_in_dim3A_62 {strides = array<i32>} : memref<1024x128xf32, #tpu.memory_space<vmem>>, vector<1024x128xf32>,
    } else {
    }
    %eq3A_9 = arith.constant 9 : i32
    %eq3A_10 = arith.cmpi eq, %arg1, %eq3A_9 : i32
    %convert_element_type3A_11 = arith.extui %eq3A_10 : i1 to i32
    %cond3A_12 = arith.constant 0 : i32
    %cond3A_13 = arith.cmpi ne, %convert_element_type3A_11, %cond3A_12 : i32
    scf.if %cond3A_13 {
      %broadcast_in_dim3A_56 = arith.constant 0.000000e+00 : f32
      %broadcast_in_dim3A_57 = vector.broadcast %broadcast_in_dim3A_56 : f32 to vector<1024x240xf32>
      %swap3A_58 = arith.constant 0 : index
      %swap3A_59 = arith.constant 784 : index
      %swap3A_60 = vector.load %arg3[%swap3A_58, %swap3A_59] : memref<1024x1024xf32, #tpu.memory_space<vmem>>, vector<1024x240xf32>
      tpu.vector_store %arg3[%swap3A_58, %swap3A_59], %broadcast_in_dim3A_57 {strides = array<i32>} : memref<1024x1024xf32, #tpu.memory_space<vmem>>, vector<1024x240xf32>,
    } else {
    }
    %mul3A = arith.constant 1024 : i32
    %mul3A_14 = arith.muli %arg0, %mul3A : i32
    %get3A = arith.index_cast %mul3A_14 : i32 to index
    %get3A_15 = arith.constant 0 : index
    %get3A_16 = vector.load %arg12[%get3A, %get3A_15] : memref<10240x1xf32, #tpu.memory_space<vmem>>, vector<1024x1xf32>
    %mul3A_17 = arith.constant 1024 : i32
    %mul3A_18 = arith.muli %arg1, %mul3A_17 : i32
    %get3A_19 = arith.constant 0 : index
    %get3A_20 = arith.index_cast %mul3A_18 : i32 to index
    %get3A_21 = vector.load %arg13[%get3A_19, %get3A_20] : memref<1x10240xf32, #tpu.memory_space<vmem>>, vector<1x1024xf32>
    %add3A = vector.broadcast %get3A_16 : vector<1024x1xf32> to vector<1024x1024xf32>
    %add3A_22 = vector.broadcast %get3A_21 : vector<1x1024xf32> to vector<1024x1024xf32>
    %add3A_23 = arith.addf %add3A, %add3A_22 : vector<1024x1024xf32>
    %mul3A_24 = arith.constant 2.000000e-01 : f32
    %mul3A_25 = vector.broadcast %mul3A_24 : f32 to vector<1024x1024xf32>
    %mul3A_26 = arith.mulf %mul3A_25, %add3A_23 : vector<1024x1024xf32>
    %max3A = arith.maximumf %add3A_23, %mul3A_26 : vector<1024x1024xf32>
    %exp23A = math.exp2 %max3A : vector<1024x1024xf32>
    %get3A_27 = arith.constant 0 : index
    %get3A_28 = arith.constant 0 : index
    %get3A_29 = vector.load %arg3[%get3A_27, %get3A_28] : memref<1024x1024xf32, #tpu.memory_space<vmem>>, vector<1024x1024xf32>
    %mul3A_30 = arith.mulf %exp23A, %get3A_29 : vector<1024x1024xf32>
    %get3A_31 = arith.constant 0 : index
    %get3A_32 = arith.constant 0 : index
    %get3A_33 = vector.load %arg11[%get3A_31, %get3A_32] : memref<1024x1xf32, #tpu.memory_space<vmem>>, vector<1024x1xf32>
    %reduce_sum3A = arith.constant dense<0.000000e+00> : vector<1024xf32>
    %reduce_sum3A_34 = vector.multi_reduction <add>, %mul3A_30, %reduce_sum3A [1] : vector<1024x1024xf32> to vector<1024xf32>
    %broadcast_in_dim3A = vector.shape_cast %reduce_sum3A_34 : vector<1024xf32> to vector<1024x1xf32>
    %add3A_35 = arith.addf %get3A_33, %broadcast_in_dim3A : vector<1024x1xf32>
    %swap3A = arith.constant 0 : index
    %swap3A_36 = arith.constant 0 : index
    %swap3A_37 = vector.load %arg11[%swap3A, %swap3A_36] : memref<1024x1xf32, #tpu.memory_space<vmem>>, vector<1024x1xf32>
    tpu.vector_store %arg11[%swap3A, %swap3A_36], %add3A_35 {strides = array<i32>} : memref<1024x1xf32, #tpu.memory_space<vmem>>, vector<1024x1xf32>,
    %mul3A_38 = arith.constant 1024 : i32
    %mul3A_39 = arith.muli %arg1, %mul3A_38 : i32
    %get3A_40 = arith.index_cast %mul3A_39 : i32 to index
    %get3A_41 = arith.constant 0 : index
    %get3A_42 = vector.load %arg2[%get3A_40, %get3A_41] : memref<10240x128xf32, #tpu.memory_space<vmem>>, vector<1024x128xf32>
    %get3A_43 = arith.constant 0 : index
    %get3A_44 = arith.constant 0 : index
    %get3A_45 = vector.load %arg10[%get3A_43, %get3A_44] : memref<1024x128xf32, #tpu.memory_space<vmem>>, vector<1024x128xf32>
    %dot_general3A = arith.constant dense<0.000000e+00> : vector<1024x128xf32>
    %dot_general3A_46 = tpu.matmul %mul3A_30, %get3A_42, %dot_general3A {dimension_numbers = #tpu.dot_dimension_numbers<[1], [0], [0], [1], [0, 0, 1, 1], [], []>, transpose_lhs_hint = false} : vector<1024x1024xf32>, vector<1024x128xf32>, vector<1024x128xf32> -> vector<1024x128xf32>
    %add3A_47 = arith.addf %get3A_45, %dot_general3A_46 : vector<1024x128xf32>
    %swap3A_48 = arith.constant 0 : index
    %swap3A_49 = arith.constant 0 : index
    %swap3A_50 = vector.load %arg10[%swap3A_48, %swap3A_49] : memref<1024x128xf32, #tpu.memory_space<vmem>>, vector<1024x128xf32>
    tpu.vector_store %arg10[%swap3A_48, %swap3A_49], %add3A_47 {strides = array<i32>} : memref<1024x128xf32, #tpu.memory_space<vmem>>, vector<1024x128xf32>,
    %eq3A_51 = arith.constant 9 : i32
    %eq3A_52 = arith.cmpi eq, %arg1, %eq3A_51 : i32
    %convert_element_type3A_53 = arith.extui %eq3A_52 : i1 to i32
    %cond3A_54 = arith.constant 0 : i32
    %cond3A_55 = arith.cmpi ne, %convert_element_type3A_53, %cond3A_54 : i32
    scf.if %cond3A_55 {
      %mul3A_56 = arith.constant 1024 : i32
      %mul3A_57 = arith.muli %arg0, %mul3A_56 : i32
      %get3A_58 = arith.index_cast %mul3A_57 : i32 to index
      %get3A_59 = arith.constant 0 : index
      %get3A_60 = vector.load %arg2[%get3A_58, %get3A_59] : memref<10240x128xf32, #tpu.memory_space<vmem>>, vector<1024x128xf32>
      %get3A_61 = arith.constant 0 : index
      %get3A_62 = arith.constant 0 : index
      %get3A_63 = vector.load %arg14[%get3A_61, %get3A_62] : memref<128x1xf32, #tpu.memory_space<vmem>>, vector<128x1xf32>
      %dot_general3A_64 = arith.constant dense<0.000000e+00> : vector<1024x1xf32>
      %dot_general3A_65 = tpu.matmul %get3A_60, %get3A_63, %dot_general3A_64 {dimension_numbers = #tpu.dot_dimension_numbers<[1], [0], [0], [1], [0, 0, 1, 1], [], []>, transpose_lhs_hint = false} : vector<1024x128xf32>, vector<128x1xf32>, vector<1024x1xf32> -> vector<1024x1xf32>
      %add3A_66 = arith.addf %get3A_16, %dot_general3A_65 : vector<1024x1xf32>
      %get3A_67 = arith.constant 0 : index
      %get3A_68 = arith.constant 0 : index
      %get3A_69 = vector.load %arg4[%get3A_67, %get3A_68] : memref<1024x1xf32, #tpu.memory_space<vmem>>, vector<1024x1xf32>
      %sub3A = arith.constant 1.000000e+00 : f32
      %sub3A_70 = vector.broadcast %sub3A : f32 to vector<1024x1xf32>
      %sub3A_71 = arith.subf %sub3A_70, %get3A_69 : vector<1024x1xf32>
      %mul3A_72 = arith.constant 2.000000e-01 : f32
      %mul3A_73 = vector.broadcast %mul3A_72 : f32 to vector<1024x1xf32>
      %mul3A_74 = arith.mulf %mul3A_73, %add3A_66 : vector<1024x1xf32>
      %max3A_75 = arith.maximumf %add3A_66, %mul3A_74 : vector<1024x1xf32>
      %exp23A_76 = math.exp2 %max3A_75 : vector<1024x1xf32>
      %mul3A_77 = arith.mulf %sub3A_71, %exp23A_76 : vector<1024x1xf32>
      %get3A_78 = arith.constant 0 : index
      %get3A_79 = arith.constant 0 : index
      %get3A_80 = vector.load %arg11[%get3A_78, %get3A_79] : memref<1024x1xf32, #tpu.memory_space<vmem>>, vector<1024x1xf32>
      %add3A_81 = arith.addf %get3A_80, %mul3A_77 : vector<1024x1xf32>
      %get3A_82 = arith.constant 0 : index
      %get3A_83 = arith.constant 0 : index
      %get3A_84 = vector.load %arg10[%get3A_82, %get3A_83] : memref<1024x128xf32, #tpu.memory_space<vmem>>, vector<1024x128xf32>
      %mul3A_85 = vector.broadcast %mul3A_77 : vector<1024x1xf32> to vector<1024x128xf32>
      %mul3A_86 = arith.mulf %mul3A_85, %get3A_60 : vector<1024x128xf32>
      %add3A_87 = arith.addf %get3A_84, %mul3A_86 : vector<1024x128xf32>
      %div3A = vector.broadcast %add3A_81 : vector<1024x1xf32> to vector<1024x128xf32>
      %div3A_88 = arith.divf %add3A_87, %div3A : vector<1024x128xf32>
      %get3A_89 = arith.constant 0 : index
      %get3A_90 = arith.constant 0 : index
      %get3A_91 = vector.load %arg5[%get3A_89, %get3A_90] : memref<128x128xf32, #tpu.memory_space<vmem>>, vector<128x128xf32>
      %dot_general3A_92 = arith.constant dense<0.000000e+00> : vector<1024x128xf32>
      %dot_general3A_93 = tpu.matmul %div3A_88, %get3A_91, %dot_general3A_92 {dimension_numbers = #tpu.dot_dimension_numbers<[1], [0], [0], [1], [0, 0, 1, 1], [], []>, transpose_lhs_hint = false} : vector<1024x128xf32>, vector<128x128xf32>, vector<1024x128xf32> -> vector<1024x128xf32>
      %get3A_94 = arith.constant 0 : index
      %get3A_95 = arith.constant 0 : index
      %get3A_96 = vector.load %arg8[%get3A_94, %get3A_95] : memref<1x128xf32, #tpu.memory_space<vmem>>, vector<1x128xf32>
      %add3A_97 = vector.broadcast %get3A_96 : vector<1x128xf32> to vector<1024x128xf32>
      %add3A_98 = arith.addf %dot_general3A_93, %add3A_97 : vector<1024x128xf32>
      %swap3A_99 = arith.constant 0 : index
      %swap3A_100 = arith.constant 0 : index
      %swap3A_101 = vector.load %arg9[%swap3A_99, %swap3A_100] : memref<1024x128xf32, #tpu.memory_space<vmem>>, vector<1024x128xf32>
      tpu.vector_store %arg9[%swap3A_99, %swap3A_100], %add3A_98 {strides = array<i32>} : memref<1024x128xf32, #tpu.memory_space<vmem>>, vector<1024x128xf32>,
    } else {
    }
    return
  }
  func.func @transform_0(%arg0: i32, %arg1: i32) -> (i32, i32) {
    %c0_i32 = arith.constant 0 : i32
    %c0_i32_0 = arith.constant 0 : i32
    %c0_i32_1 = arith.constant 0 : i32
    return %c0_i32, %c0_i32_0 : i32, i32
  }
  func.func @transform_1(%arg0: i32, %arg1: i32) -> (i32, i32) {
    %c0_i32 = arith.constant 0 : i32
    return %arg0, %arg1 : i32, i32
  }
  func.func @transform_2(%arg0: i32, %arg1: i32) -> (i32, i32) {
    %c0_i32 = arith.constant 0 : i32
    %c0_i32_0 = arith.constant 0 : i32
    return %arg0, %c0_i32 : i32, i32
  }
  func.func @transform_3(%arg0: i32, %arg1: i32) -> (i32, i32) {
    %c0_i32 = arith.constant 0 : i32
    %c0_i32_0 = arith.constant 0 : i32
    %c0_i32_1 = arith.constant 0 : i32
    return %c0_i32, %c0_i32_0 : i32, i32
  }
  func.func @transform_4(%arg0: i32, %arg1: i32) -> (i32, i32) {
    %c0_i32 = arith.constant 0 : i32
    %c0_i32_0 = arith.constant 0 : i32
    %c0_i32_1 = arith.constant 0 : i32
    return %c0_i32, %c0_i32_0 : i32, i32
  }
  func.func @transform_5(%arg0: i32, %arg1: i32) -> (i32, i32) {
    %c0_i32 = arith.constant 0 : i32
    %c0_i32_0 = arith.constant 0 : i32
    %c0_i32_1 = arith.constant 0 : i32
    return %c0_i32, %c0_i32_0 : i32, i32
  }
  func.func @transform_6(%arg0: i32, %arg1: i32) -> (i32, i32) {
    %c0_i32 = arith.constant 0 : i32
    %c0_i32_0 = arith.constant 0 : i32
    %c0_i32_1 = arith.constant 0 : i32
    return %c0_i32, %c0_i32_0 : i32, i32
  }
  func.func @transform_7(%arg0: i32, %arg1: i32) -> (i32, i32) {
    %c0_i32 = arith.constant 0 : i32
    %c0_i32_0 = arith.constant 0 : i32
    return %arg0, %c0_i32 : i32, i32
  }
}

</mosaic_0001>

<sc_bundles>
// kernel: gather_offload_async_start
scs
__scs_entry_jumppad:
0x0: {  	(pc) =	sbr.rel $0x88, $3  }
0x1: {  	(tag) =	ssettag $0x0;
	lr =	simm.s32 $0x1  }
0x2: {  	[smem:$0x3F9B] =	sst lr;
	_ =	strace $0xD0000000  }
0x3: {  	_ = 	snop  }
0x4: {  	_ = 	snop  }
0x5: {  	_ = 	snop  }
0x6: {  	_ = 	snop  }
0x7: {  	_ = 	snop  }
__scs_overlays_trampoline_lowered:
0x8: {  	[smem:$0x3FAA] =	sst s0  }
0x9: {  	[smem:$0x3FAB] =	sst s1  }
0xa: {  	[smem:$0x3FAC] =	sst s2  }
0xb: {  	[smem:$0x3FAD] =	sst s3  }
0xc: {  	[smem:$0x3FAE] =	sst s4  }
0xd: {  	[smem:$0x3FAF] =	sst s5  }
0xe: {  	[smem:$0x3FB0] =	sst s6  }
0xf: {  	[smem:$0x3FB1] =	sst s7  }
0x10: {  	[smem:$0x3FB2] =	sst s8  }
0x11: {  	[smem:$0x3FB3] =	sst s9;
	s0 =	simm.s32 @!p0 $0x0  }
0x12: {  	s1 =	sld [smem:$0x3F99];
	s0 =	simm.s32 @p0 $0x1  }
0x13: {  	[smem:$0x3FB4] =	sst s0;
	s0 =	simm.s32 @!p1 $0x0  }
0x14: {  	s2 =	sld [smem:$0x3F98];
	s0 =	simm.s32 @p1 $0x1  }
0x15: {  	[smem:$0x3FB5] =	sst s0;
	s0 =	simm.s32 @!p2 $0x0  }
0x16: {  	s3 =	sld [smem:$0x3FDB];
	s0 =	simm.s32 @p2 $0x1  }
0x17: {  	s4 =	simm.s32 $0x1BF5;
	[smem:$0x3FB7] =	sst s0  }
0x18: {  	s0 =	sld [smem:$0x3F9A];
	_ =	swait.ge [sflag:s4], $0x0  }
0x19: {  	s7 =	sld [smem:$0x3F9B]  }
0x1a: {  	s8 =	sadd.s32 $0xFFFFE003, lr  }
0x1b: {  	s9 =	sadd.s32 $0xFFFFFEF7, lr;
	s5 =	simm.s32 $0xFFFFFFFF;
	p2 =	slt.u32 s8, $0xFFFFF086  }
0x1c: {  	p1 =	slt.u32 s9, $0xF7A;
	s5 =	simm.s32 @!p2 $0x0  }
0x1d: {  	s5 =	simm.s32 @p1 $0x1;
	p0 =	seq.s32 s7, s2  }
0x1e: {  	s7 =	smul.u32 @!p0 $0xF7A, s2;
	p2 =	seq.s32 @!p0 s5, $0x0  }
0x1f: {  	s9 =	smul.u32 $0xF7A, s1;
	s8 =	simm.s32 @!p0 $0x1BF5;
	p2 =	por !p2, p0  }
0x20: {  	[sflag:s8] =	ssyncset.s32 @!p0 $0xFFFFF086;
	s6 =	sadd.s32 @!p0 s3, s7;
	s7 =	simm.s32 @!p0 $0x108  }
0x21: {  	s3 =	sadd.s32 s3, s9;
	s6 =	sadd.s32 @!p0 $0x88, s6;
	s7 =	simm.s32 @p2 $0x1082  }
0x22: {  	[simem:s7], [sflag:s8] =	dma.local @!p0 [hbm:s6], $0xF7A  }
0x23: {  	s9 =	sor.u32 $0xD0000000, s2;
	s6 =	simm.s32 $0x108;
	_ =	swait.ge @!p0 [sflag:s8], $0x0  }
0x24: {  	s3 =	sadd.s32 $0x88, s3;
	s6 =	simm.s32 @!p1 $0x1082;
	[sflag:s4] =	ssyncset.s32 $0xFFFFF086  }
0x25: {  	[simem:s6], [sflag:s4] =	dma.local [hbm:s3], $0xF7A  }
0x26: {  	[smem:$0x3F9B] =	sst s1;
	(tag) =	ssettag s2;
	_ =	strace s9  }
0x27: {  	s1 =	sld [smem:$0x3FAB]  }
0x28: {  	s2 =	sld [smem:$0x3FAC]  }
0x29: {  	s4 =	sld [smem:$0x3FAE]  }
0x2a: {  	p0 =	seq.s32 s5, $0x0;
	s5 =	sld [smem:$0x3FAF]  }
0x2b: {  	s6 =	sld [smem:$0x3FB0]  }
0x2c: {  	s7 =	sld [smem:$0x3FB1]  }
0x2d: {  	s3 =	simm.s32 $0x108;
	s8 =	sld [smem:$0x3FB2]  }
0x2e: {  	s3 =	simm.s32 @!p0 $0x1082;
	s9 =	sld [smem:$0x3FB3]  }
0x2f: {  	lr =	sadd.s32 s0, s3;
	s0 =	sld [smem:$0x3FAA]  }
0x30: {  	s3 =	sld [smem:$0x3FAD]  }
0x31: {  	[smem:$0x3FB6] =	sst s10  }
0x32: {  	s10 =	sld [smem:$0x3FB4];
	_ =	sdelay $0x3  }
0x33: {  	p0 =	seq.s32 s10, $0x1;
	s10 =	sld [smem:$0x3FB6];
	_ =	sdelay $0x3  }
0x34: {  	[smem:$0x3FB6] =	sst s10  }
0x35: {  	s10 =	sld [smem:$0x3FB5];
	_ =	sdelay $0x3  }
0x36: {  	p1 =	seq.s32 s10, $0x1;
	s10 =	sld [smem:$0x3FB6];
	_ =	sdelay $0x3  }
0x37: {  	[smem:$0x3FB6] =	sst s10  }
0x38: {  	s10 =	sld [smem:$0x3FB7]  }
0x39: {  	_ = 	snop;
	(pc) =	sbr.ind lr, $3  }
0x3a: {  	_ = 	snop  }
0x3b: {  	_ = 	snop  }
0x3c: {  	p2 =	seq.s32 s10, $0x1;
	s10 =	sld [smem:$0x3FB6]  }
0x3d: {  	_ =	shalt  }
0x3e: {  	_ =	shalt  }
0x3f: {  	_ =	shalt  }
0x40: {  	_ =	shalt  }
0x41: {  	_ =	shalt  }
0x42: {  	_ =	shalt  }
0x43: {  	_ =	shalt  }
0x44: {  	_ =	shalt  }
0x45: {  	_ =	shalt  }
0x46: {  	_ =	shalt  }
0x47: {  	_ =	shalt  }
0x48: {  	_ =	shalt  }
0x49: {  	_ =	shalt  }
0x4a: {  	_ =	shalt  }
0x4b: {  	_ =	shalt  }
0x4c: {  	_ =	shalt  }
0x4d: {  	_ =	shalt  }
0x4e: {  	_ =	shalt  }
0x4f: {  	_ =	shalt  }
0x50: {  	_ =	shalt  }
0x51: {  	_ =	shalt  }
0x52: {  	_ =	shalt  }
0x53: {  	_ =	shalt  }
0x54: {  	_ =	shalt  }
0x55: {  	_ =	shalt  }
0x56: {  	_ =	shalt  }
0x57: {  	_ =	shalt  }
0x58: {  	_ =	shalt  }
0x59: {  	_ =	shalt  }
0x5a: {  	_ =	shalt  }
0x5b: {  	_ =	shalt  }
0x5c: {  	_ =	shalt  }
0x5d: {  	_ =	shalt  }
0x5e: {  	_ =	shalt  }
0x5f: {  	_ =	shalt  }
0x60: {  	_ =	shalt  }
0x61: {  	_ =	shalt  }
0x62: {  	_ =	shalt  }
0x63: {  	_ =	shalt  }
0x64: {  	_ =	shalt  }
0x65: {  	_ =	shalt  }
0x66: {  	_ =	shalt  }
0x67: {  	_ =	shalt  }
0x68: {  	_ =	shalt  }
0x69: {  	_ =	shalt  }
0x6a: {  	_ =	shalt  }
0x6b: {  	_ =	shalt  }
0x6c: {  	_ =	shalt  }
0x6d: {  	_ =	shalt  }
0x6e: {  	_ =	shalt  }
0x6f: {  	_ =	shalt  }
0x70: {  	_ =	shalt  }
0x71: {  	_ =	shalt  }
0x72: {  	_ =	shalt  }
0x73: {  	_ =	shalt  }
0x74: {  	_ =	shalt  }
0x75: {  	_ =	shalt  }
0x76: {  	_ =	shalt  }
0x77: {  	_ =	shalt  }
0x78: {  	_ =	shalt  }
0x79: {  	_ =	shalt  }
0x7a: {  	_ =	shalt  }
0x7b: {  	_ =	shalt  }
0x7c: {  	_ =	shalt  }
0x7d: {  	_ =	shalt  }
0x7e: {  	_ =	shalt  }
0x7f: {  	_ =	shalt  }
0x80: {  	_ =	shalt  }
0x81: {  	_ =	shalt  }
0x82: {  	_ =	shalt  }
0x83: {  	_ =	shalt  }
0x84: {  	_ =	shalt  }
0x85: {  	_ =	shalt  }
0x86: {  	_ =	shalt  }
0x87: {  	_ =	shalt  }
.Lfunc_end0:
.L_simem_size_0:
called_computation_lowered:
.L_overlay_start_0:
0x88: {  	s0 =	sld [smem:$0x3FD9]  }
0x89: {  	s1 =	sld [smem:$0x3FFE];
	_ =	sdelay $0x3  }
0x8a: {  	s0 =	sadd.s32 s1, s0  }
0x8b: {  	[smem:$0x3FC2] =	sst s0  }
0x8c: {  	_ = 	snop  }
0x8d: {  	s0 =	sld [smem:$0x3FC8]  }
0x8e: {  	s16 =	sld [smem:$0x3FD0];
	(tm) =	ssettm $0x1  }
0x8f: {  	s2 =	sld [smem:$0x3FFB];
	_ =	sdelay $0x3  }
0x90: {  	_ =	strace s2  }
0x91: {  	s2 =	sld [smem:$0x3FFC];
	_ =	sdelay $0x3  }
0x92: {  	_ =	strace s2  }
0x93: {  	s2 =	sld [smem:$0x3FFD];
	_ =	sdelay $0x3  }
0x94: {  	_ =	strace s2  }
0x95: {  	_ =	strace $0x8FFFFFFF  }
0x96: {  	s17 =	sld [smem:$0x3FDB];
	_ =	sdelay $0x1  }
0x97: {  	s3 =	simm.s32 $_scs_section_size  }
0x98: {  	s4 =	simm.s32 $_size__tile_overlayer_lowered;
	s5 =	simm.s32 $_tile_overlayer_lowered  }
0x99: {  	s20 =	simm.s32 $0x1BFF;
	s19 =	sshll.u32 s5, $0x1;
	s2 =	sadd.s32 s3, s17  }
0x9a: {  	s6 =	simm.s32 $0x0;
	s18 =	sshll.u32 s4, $0x1;
	s4 =	sadd.s32 s19, s2  }
0x9b: {  	[timem:s6], [sflag:s20] =	dma.local [hbm:s4], s18  }
0x9c: {  	_ =	swait.ge [sflag:s20], s18  }
0x9d: {  	s3 =	ssub.s32 $0x0, s18;
	[sflag:s20] =	ssyncset.done $0x0  }
0x9e: {  	[sflag:s20] =	ssyncadd.s32 s3;
	_ =	sdelay $0x1  }
0x9f: {  	s21 =	simm.s32 $0x1B8B  }
0xa0: {  	_ =	swait.ge [sflag:s21], $0x1  }
0xa1: {  	[sflag:s21] =	ssyncset.done $0x0  }
0xa2: {  	s23 =	simm.s32 $0x1B8E;
	s22 =	sld [smem:$0x3FFE];
	[sflag:s21] =	ssyncadd.s32 $0xFFFFFFFF  }
0xa3: {  	s24 =	simm.s32 $execute0_lowered;
	[smem:$0x3FD2] =	sst s23  }
0xa4: {  	s4 =	sshll.u32 s24, $0x1;
	_ =	strace $0x80000046;
	[dreg:$0x1] =	wrdreg $0xFFFFFFFF  }
0xa5: {  	s25 =	simm.s32 $_size_execute0_lowered;
	s2 =	sadd.s32 s2, s4;
	[dreg:$0x0] =	wrdreg $0x0  }
0xa6: {  	s4 =	sshll.u32 s25, $0x1;
	[dreg:$0x2] =	wrdreg s2  }
0xa7: {  	[dreg:$0x3] =	wrdreg s4  }
0xa8: {  	[dreg:$0x4] =	wrdreg $0xC0  }
0xa9: {  	_ =	task [dreg:s6], $0x5FFFF  }
0xaa: {  	[dreg:$0x1] =	wrdreg $0xFFFFFFFF  }
0xab: {  	[dreg:$0x0] =	wrdreg $0x60  }
0xac: {  	[dreg:$0x2] =	wrdreg s0  }
0xad: {  	[dreg:$0x3] =	wrdreg s16  }
0xae: {  	[dreg:$0x4] =	wrdreg s22  }
0xaf: {  	[dreg:$0x5] =	wrdreg $0x9  }
0xb0: {  	_ =	task.clear_ibuf [dreg:s6], $0x6FFFF;
	_ =	strace $0x90000046  }
0xb1: {  	s26 =	simm.s32 $0x9;
	_ =	strace $0x80000048  }
0xb2: {  	_ =	swait.ge [sflag:s26], $0x1  }
0xb3: {  	[sflag:s26] =	ssyncadd.s32 $0xFFFFFFFF  }
0xb4: {  	_ =	strace $0x90000048  }
0xb5: {  	_ =	sfence  }
0xb6: {  	s28 =	sld [smem:$0x0];
	_ =	sdelay $0x1  }
0xb7: {  	s29 =	srdreg.scid  }
0xb8: {  	s30 =	sshll.u32 s29, $0xD;
	s31 =	sshrl.u32 s29, $0x2  }
0xb9: {  	s1 =	sand.u32 $0x1, s29;
	s2 =	sand.u32 $0x4000, s30;
	s0 =	sadd.s32 s31, s28  }
0xba: {  	s1 =	sor.u32 s2, s1;
	s0 =	sshll.u32 s0, $0x11  }
0xbb: {  	s0 =	sor.u32 s0, s1  }
0xbc: {  	s0 =	sadd.s32 $0x8F2B, s0  }
0xbd: {  	[sflag:s0] =	ssyncadd.remote.s32 $0x1  }
0xbe: {  	_ =	sfence.sel $0xFFFF  }
0xbf: {  	[dreg:$0x0] =	wrdreg $0xFFFFFFFF;
	(pc) =	sbr.abs _section_cstart, $3  }
0xc0: {  	[dreg:$0x1] =	wrdreg $0xFFFFFFFF  }
0xc1: {  	_ =	task.clear_ibuf [dreg:s6], $0x2FFFF;
	_ =	strace $0x9FFFFFFF  }
0xc2: {  	(tm) =	ssettm $0x7FFFFFFF  }
0xc3: {  	_ =	shalt  }
tec
execute0_lowered:
.L_overlay_start_1:
0x0: {  	(tag) =	ssettag $0x1  }
0x1: {  	s2 =	rddreg [dreg:$0x0]  }
0x2: {  	s3 =	rddreg [dreg:$0x1]  }
0x3: {  	s8 =	rddreg [dreg:$0x2]  }
0x4: {  	s0 =	rddreg [dreg:$0x3];
	_ =	strace $0x80000047;
	s4 =	simm.s32 $0x1  }
0x5: {  	s1 =	stileid.u32;
	s7 =	simm.s32 $0x1;
	s9 =	simm.s32 $0x1  }
0x6: {  	s6 =	simm.s32 $0x2;
	s10 =	simm.s32 $0x3;
	s13 =	simm.s32 $0x0  }
.Ltmp0:
0x7: {  	s12 =	simm.s32 $0x0;
	p0 =	slt.u32 s1, $0xA;
	(pc) =	sbr.rel .LBB2_1-.Ltmp0, $4  }
0x8: {  	[sflag:s4] =	ssyncpa.u1 $0x0;
	s7 =	simm.s32 @!p0 $0x0;
	p0 =	sne.s32 s1, $0x9  }
0x9: {  	s5 =	smul.u32 $0x190, s1;
	[sflag:s6] =	ssyncpa.u1 $0x0;
	s9 =	simm.s32 @!p0 $0x0  }
0xa: {  	s8 =	sadd.s32 $0x600, s8;
	[sflag:s10] =	ssyncpa.u1 $0x0;
	s7 =	sadd.s32 s9, s7  }
0xb: {  	vm0 =	vmmov $0xffff;
	s10 =	simm.s32 $0x0;
	s11 =	smov.u32 s5;
	s9 =	sadd.s32 $0x1, s7  }
.LBB2_4:
0xc: {  	vm1 =	veq.s32 v4, $0x80000000;
	v56 =	vand.u32 $0x3FFF, v4;
	v6 =	vand.u32 $0x3FFF, v6  }
0xd: {  	v2 =	vor.u32 v2, v5;
	v59 =	vshrl.u32 v1, $0xE;
	v60 =	vand.u32 $0x3FFF, v1  }
0xe: {  	v4 =	vsel vm1, $0xFFFFFFFF, v56;
	v6 =	vsel vm1, $0xFFFFFFFF, v6;
	v2 =	vor.u32 v3, v2  }
0xf: {  	vm1 =	veq.s32 v1, $0x80000000;
	v5 =	vand.u32 $0x3FFF, v59;
	v7 =	vshrl.u32 v4, $0x3  }
0x10: {  	v57 =	vshll.u32 v6, $0x3;
	v4 =	vshll.u32 v4, $0x7;
	v1 =	vsel vm1, $0xFFFFFFFF, v60  }
0x11: {  	v5 =	vsel vm1, $0xFFFFFFFF, v5;
	v6 =	vand.u32 $0x7F, v6;
	v7 =	vmul.u32 $0x13C00, v7  }
0x12: {  	v58 =	vand.u32 $0xFFFFFC00, v57;
	v4 =	vand.u32 $0x380, v4;
	v61 =	vshrl.u32 v1, $0x3  }
0x13: {  	v62 =	vshll.u32 v5, $0x3;
	v3 =	vadd.s32 v7, v58;
	v7 =	vmul.u32 $0x13C00, v61  }
0x14: {  	v1 =	vshll.u32 v1, $0x7;
	v3 =	vor.u32 v4, v3;
	v4 =	vand.u32 $0xFFFFFC00, v62  }
0x15: {  	v1 =	vand.u32 $0x380, v1;
	v3 =	vor.u32 v6, v3;
	v4 =	vadd.s32 v7, v4  }
0x16: {  	[tilespmem:s16], [sflag:$0x1] =	stream.indirect_vreg.gather [hbm4b:s2+s10], $0x1, v0, vm0, $0x4038;
	v63 =	vand.u32 $0x7F, v5;
	v1 =	vor.u32 v1, v4;
	[tilespmem:$0x640] =	vst v63  }
0x17: {  	s15 =	sadd.s32 $0x10, s15;
	(ifvalue) =	ssetifvalue $0x7FFFFFFF;
	v0 =	vor.u32 v63, v1  }
0x18: {  	[tilespmem:s15], [sflag:$0x1] =	stream.indirect_vreg.gather [hbm4b:s2+s10], $0x1, v2, vm0, $0x4038;
	[tilespmem:$0x640] =	vst v63  }
0x19: {  	s15 =	sadd.s32 $0x10, s15;
	(ifvalue) =	ssetifvalue $0x7FFFFFFF  }
0x1a: {  	[tilespmem:s15], [sflag:$0x1] =	stream.indirect_vreg.gather [hbm4b:s2+s10], $0x1, v3, vm0, $0x4038;
	[tilespmem:$0x640] =	vst v63  }
0x1b: {  	s15 =	sadd.s32 $0x10, s15;
	(ifvalue) =	ssetifvalue $0x7FFFFFFF  }
0x1c: {  	[tilespmem:s15], [sflag:$0x1] =	stream.indirect_vreg.gather [hbm4b:s2+s10], $0x1, v0, vm0, $0x4038;
	[tilespmem:$0x640] =	vst v63  }
0x1d: {  	_ =	swait.ge [sflag:s4], $0x190  }
0x1e: {  	s30 =	sshrl.u32 s13, $0x3;
	[sflag:s4] =	ssyncset.done $0x0  }
0x1f: {  	s31 =	sand.u32 $0x7, s13;
	s15 =	sadd.s32 s8, s30;
	[sflag:s4] =	ssyncadd.s32 $0xFFFFFE70  }
0x20: {  	[hbm4b:s15+s31] =	stream.linear.scatter [tilespmem:s14], [sflag:$0x3], $0x190, $0x38;
	[tilespmem:$0x640] =	vst v63  }
.LBB2_5:
0x21: {  	s15 =	sadd.s32 $0x1900, s11  }
0x22: {  	p1 =	sgt.s32 s15, $0x270F  }
0x23: {  	s15 =	smov.u32 @p1 s5;
	p1 =	sne.s32 s12, s9  }
.Ltmp1:
0x24: {  	p0 =	slt.u32 s12, $0x2;
	(pc) =	sbr.rel @!p1 .LBB2_6-.Ltmp1, $4  }
0x25: {  	s14 =	simm.s32 @!p0 $0x3  }
0x26: {  	_ =	swait.ge @!p0 [sflag:s14], $0x190  }
0x27: {  	s16 =	sadd.s32 $0x1, s12;
	s13 =	smov.u32 s11;
	[sflag:s14] =	ssyncset.done @!p0 $0x0  }
0x28: {  	s12 =	smov.u32 s16;
	s11 =	smov.u32 s15;
	[sflag:s14] =	ssyncadd.s32 @!p0 $0xFFFFFE70  }
.LBB2_1:
0x29: {  	p0 =	sge.u32 s12, s7  }
0x2a: {  	s14 =	sxor.u32 @!p0 $0x1, s12  }
0x2b: {  	s14 =	smul.u32 @!p0 $0x640, s14  }
0x2c: {  	s31 =	sadd.s32 $0xFFFFFFFF, s12;
	s15 =	sshrl.u32 @!p0 s11, $0x3  }
0x2d: {  	s16 =	sand.u32 @!p0 $0x7, s11;
	s15 =	sadd.s32 @!p0 s3, s15;
	s14 =	sshra.s32 @!p0 s14, $0x2  }
0x2e: {  	[tilespmem:s14], [sflag:$0x2] =	stream.linear.gather @!p0 [hbm4b:s15+s16], $0x190, $0x38;
	[tilespmem:$0x640] =	vst v63  }
0x2f: {  	p0 =	sge.u32 s31, s7  }
.Ltmp2:
0x30: {  	_ = 	snop;
	(pc) =	sbr.rel @p0 .LBB2_5-.Ltmp2, $1  }
0x31: {  	_ =	sdelay $0x3  }
0x32: {  	s14 =	sand.u32 $0x1, s12  }
0x33: {  	_ =	swait.ge [sflag:s6], $0x190;
	p0 =	seq.s32 s14, $0x1;
	s14 =	simm.s32 $0x190  }
0x34: {  	[sflag:s6] =	ssyncset.done $0x0;
	s14 =	simm.s32 @!p0 $0x0  }
0x35: {  	[sflag:s6] =	ssyncadd.s32 $0xFFFFFE70;
	(ifvalue) =	ssetifvalue $0x7FFFFFFF;
	v0 =	vld.msk [tilespmem:s14+$0x0 ss:$0x1], $0xffff  }
0x36: {  	s15 =	sadd.s32 $0x10, s14  }
0x37: {  	v1 =	vld.msk [tilespmem:s15+$0x0 ss:$0x1], $0xffff;
	_ =	sdelay $0x2  }
0x38: {  	v2 =	vshrl.u32 v0, $0xE  }
0x39: {  	vm1 =	veq.s32 v0, $0x80000000;
	v0 =	vand.u32 $0x3FFF, v0;
	v2 =	vand.u32 $0x3FFF, v2  }
0x3a: {  	v0 =	vsel vm1, $0xFFFFFFFF, v0;
	v6 =	vshrl.u32 v1, $0xE;
	v2 =	vsel vm1, $0xFFFFFFFF, v2  }
0x3b: {  	v3 =	vshrl.u32 v0, $0x3;
	v0 =	vshll.u32 v0, $0x7;
	vm1 =	veq.s32 v1, $0x80000000  }
0x3c: {  	s15 =	sadd.s32 $0x10, s15;
	v1 =	vand.u32 $0x3FFF, v1;
	v4 =	vshll.u32 v2, $0x3;
	v3 =	vmul.u32 $0x13C00, v3  }
0x3d: {  	v0 =	vand.u32 $0x380, v0;
	v7 =	vand.u32 $0x7F, v2;
	v5 =	vand.u32 $0xFFFFFC00, v4;
	v4 =	vld.msk [tilespmem:s15+$0x0 ss:$0x1], $0xffff  }
0x3e: {  	v1 =	vsel vm1, $0xFFFFFFFF, v1;
	v2 =	vadd.s32 v3, v5;
	v3 =	vand.u32 $0x3FFF, v6  }
0x3f: {  	v3 =	vsel vm1, $0xFFFFFFFF, v3;
	v0 =	vor.u32 v0, v2;
	v2 =	vshrl.u32 v1, $0x3  }
0x40: {  	v1 =	vshll.u32 v1, $0x7;
	v5 =	vshll.u32 v3, $0x3;
	v8 =	vmul.u32 $0x13C00, v2  }
0x41: {  	s18 =	simm.s32 $0x30;
	s14 =	sadd.s32 $0x320, s14;
	s17 =	sadd.s32 $0x10, s15;
	v2 =	vand.u32 $0x380, v1;
	v0 =	vor.u32 v7, v0;
	v5 =	vand.u32 $0xFFFFFC00, v5  }
0x42: {  	s16 =	smov.u32 s14;
	s15 =	smov.u32 s14;
	v1 =	vld.msk [tilespmem:s17+$0x0 ss:$0x1], $0xffff;
	v3 =	vand.u32 $0x7F, v3;
	(ifvalue) =	ssetifvalue $0x7FFFFFFF;
	v6 =	vshrl.u32 v4, $0xE;
	v5 =	vadd.s32 v8, v5  }
.LBB2_3:
0x43: {  	s18 =	sadd.s32 $0x10, s18  }
0x44: {  	vm1 =	veq.s32 v4, $0x80000000;
	v4 =	vand.u32 $0x3FFF, v4;
	v6 =	vand.u32 $0x3FFF, v6;
	s15 =	sadd.s32 $0x10, s15;
	p0 =	slt.u32 s18, $0x180  }
.Ltmp3:
0x45: {  	v5 =	vor.u32 v2, v5;
	v4 =	vsel vm1, $0xFFFFFFFF, v4;
	v7 =	vsel vm1, $0xFFFFFFFF, v6;
	(pc) =	sbr.rel @p0 .LBB2_3-.Ltmp3, $4  }
0x46: {  	v2 =	vshrl.u32 v4, $0x3;
	v6 =	vshll.u32 v7, $0x3;
	v4 =	vshll.u32 v4, $0x7;
	[tilespmem:s16], [sflag:$0x1] =	stream.indirect_vreg.gather [hbm4b:s2+s10], $0x1, v0, vm0, $0x4038;
	[tilespmem:$0x640] =	vst v63  }
0x47: {  	v0 =	vor.u32 v3, v5;
	s16 =	smov.u32 s15;
	v8 =	vmul.u32 $0x13C00, v2;
	v2 =	vand.u32 $0x380, v4  }
0x48: {  	s17 =	sadd.s32 $0x10, s17;
	v9 =	vand.u32 $0xFFFFFC00, v6  }
0x49: {  	v3 =	vand.u32 $0x7F, v7;
	v6 =	vshrl.u32 v1, $0xE;
	v5 =	vadd.s32 v8, v9;
	(ifvalue) =	ssetifvalue $0x7FFFFFFF;
	v4 =	vmovc v1;
	v1 =	vld.msk [tilespmem:s17+$0x0 ss:$0x1], $0xffff  }
.Ltmp4:
0x4a: {  	_ = 	snop;
	(pc) =	sbr.rel .LBB2_4-.Ltmp4, $1  }
0x4b: {  	_ =	sdelay $0x3  }
.LBB2_6:
0x4c: {  	_ =	sfence.sel $0x180000  }
0x4d: {  	s2 =	simm.s32 $0x2;
	[bflag:$0x0] =	sbarrier.arrive $0xFFFF  }
0x4e: {  	s30 =	simm.s32 $0x3;
	[sflag:s2] =	ssyncpa.u1 $0x1  }
0x4f: {  	s31 =	simm.s32 $0x1;
	[sflag:s30] =	ssyncpa.u1 $0x1  }
0x50: {  	[sflag:s31] =	ssyncpa.u1 $0x1  }
0x51: {  	p0 =	sne.s32 s1, $0x0;
	_ =	strace $0x90000047  }
0x52: {  	s0 =	sadd.s32 @!p0 $0x100000, s0;
	[bflag:$0x2] =	sbarrier.arrive $0xFFFF  }
0x53: {  	[sflag:s0] =	ssyncadd.tile.s32 @!p0 $0x1;
	_ =	shalt  }
.Lfunc_end2:
_tile_overlayer_lowered:
.L_overlay_start_2:
0x54: {  	(tag) =	ssettag $0x2  }
0x55: {  	s0 =	rddreg [dreg:$0x0];
	s2 =	stileid.u32  }
0x56: {  	s1 =	rddreg [dreg:$0x1];
	p0 =	sne.s32 s2, $0x0  }
0x57: {  	s3 =	rddreg [dreg:$0x2];
	[bflag:$0x3] =	sbarrier.arrive $0xFFFF;
	s2 =	simm.s32 @!p0 $0x1C01  }
0x58: {  	[timem:s3], [sflag:s2] =	dma.local @!p0 [hbm:s0], s1  }
0x59: {  	s0 =	simm.s32 @!p0 $0x1  }
0x5a: {  	_ =	swait.ge @!p0 [sflag:s0], s1  }
0x5b: {  	s1 =	ssub.s32 @!p0 $0x0, s1;
	[sflag:s0] =	ssyncset.done @!p0 $0x0  }
0x5c: {  	[sflag:s0] =	ssyncadd.s32 @!p0 s1  }
0x5d: {  	[bflag:$0x3] =	sbarrier.arrive $0xFFFF  }
0x5e: {  	_ =	shalt  }

</sc_bundles>
